<compile_context>
chip_gen: v7x
topology: tpu7x:2x2x1
jax: 0.10.2.dev20260603
libtpu: 0.0.44.dev20260713+nightly
codegen_flags: <defaults>
</compile_context>

<pallas_src>
import dataclasses
import functools

import jax
import jax.numpy as jnp
from jax import lax
from jax.experimental import pallas as pl
from jax.experimental.pallas import tpu as pltpu
from jax.experimental.pallas import tpu_sc as plsc

N = 10000
E = 320000
D = 128
OUT = 40
NP = 10240
NC = 2
NS = 16
NW = NC * NS
CHUNK = 128
CPT = 80
HCPT = CPT // 2
EP = NW * CPT * CHUNK
RPT = NP // NS
RB = 1000

_mesh = plsc.VectorSubcoreMesh(core_axis_name="c", subcore_axis_name="s")


def _hist_body(dst_hbm, out_hbm, idx_v, hist_v):
    c = lax.axis_index("c")
    s = lax.axis_index("s")
    wid = c * NS + s

    @pl.loop(0, NP // 16)
    def _(i):
        hist_v[pl.ds(i * 16, 16)] = jnp.zeros((16,), jnp.float32)

    pltpu.sync_copy(dst_hbm.at[wid], idx_v)
    ones = jnp.full((16,), 1.0, jnp.float32)

    @pl.loop(0, CPT)
    def _(j):
        @pl.loop(0, CHUNK // 16)
        def _(k):
            idx = idx_v[j, pl.ds(k * 16, 16)]
            plsc.addupdate_scatter(hist_v, [idx], ones)

    pltpu.sync_copy(hist_v, out_hbm.at[wid])


_hist_cp = pltpu.CompilerParams()
if "needs_layout_passes" in pltpu.CompilerParams.__dataclass_fields__:
    _hist_cp = dataclasses.replace(_hist_cp, needs_layout_passes=False)


@jax.jit
def _hist(dstp):
    k = pl.kernel(
        _hist_body,
        out_type=jax.ShapeDtypeStruct((NW, NP), jnp.float32),
        mesh=_mesh,
        compiler_params=_hist_cp,
        scratch_types=[
            pltpu.VMEM((CPT, CHUNK), jnp.int32),
            pltpu.VMEM((NP,), jnp.float32),
        ],
    )
    return k(dstp)


def _prep_body(h_ref, o_ref):
    ones = jnp.ones((NW, 1), jnp.float32)
    deg = lax.dot_general(h_ref[...], ones, (((0,), (0,)), ((), ())),
                          preferred_element_type=jnp.float32) + 1.0
    o_ref[...] = lax.rsqrt(deg)


@jax.jit
def _prep(hist):
    return pl.pallas_call(
        _prep_body,
        grid=(NP // 1024,),
        in_specs=[pl.BlockSpec((NW, 1024), lambda i: (0, i))],
        out_specs=pl.BlockSpec((1024, 1), lambda i: (i, 0)),
        out_shape=jax.ShapeDtypeStruct((NP, 1), jnp.float32),
    )(hist)


def _agg_body(hwp_hbm, src_hbm, dst_hbm, out_hbm, srcv, dstv, rows_a, rows_b,
              acc_sh, sem_ga, sem_gb, sem_sa, sem_sb):
    c = lax.axis_index("c")
    s = lax.axis_index("s")
    wid = c * NS + s

    HF = CHUNK // 2

    def _gather(j, rows, sem):
        pltpu.async_copy(hwp_hbm.at[srcv.at[j, pl.ds(0, HF)]],
                         rows.at[pl.ds(0, HF)], sem)
        pltpu.async_copy(hwp_hbm.at[srcv.at[j, pl.ds(HF, HF)]],
                         rows.at[pl.ds(HF, HF)], sem)

    def _gwait(j, rows, sem):
        pltpu.make_async_copy(hwp_hbm.at[srcv.at[j, pl.ds(0, HF)]],
                              rows.at[pl.ds(0, HF)], sem).wait()
        pltpu.make_async_copy(hwp_hbm.at[srcv.at[j, pl.ds(HF, HF)]],
                              rows.at[pl.ds(HF, HF)], sem).wait()

    def _load_idx(h):
        with jax.named_scope("agg_idx"):
            pltpu.sync_copy(src_hbm.at[wid, pl.ds(h * HCPT, HCPT)], srcv)
            pltpu.sync_copy(dst_hbm.at[wid, pl.ds(h * HCPT, HCPT)], dstv)

    def _edge_loop():
        @pl.loop(0, HCPT // 2)
        def _(k):
            j = 2 * k
            _gwait(j, rows_a, sem_ga)

            @pl.when(k > 0)
            def _():
                pltpu.make_async_copy(rows_b, acc_sh.at[dstv.at[j - 1]],
                                      sem_sb).wait()

            _gather(j + 1, rows_b, sem_gb)
            pltpu.async_copy(rows_a, acc_sh.at[dstv.at[j]], sem_sa, add=True)
            _gwait(j + 1, rows_b, sem_gb)

            @pl.when(j + 2 < HCPT)
            def _():
                pltpu.make_async_copy(rows_a, acc_sh.at[dstv.at[j]], sem_sa).wait()
                _gather(j + 2, rows_a, sem_ga)

            pltpu.async_copy(rows_b, acc_sh.at[dstv.at[j + 1]], sem_sb, add=True)

        with jax.named_scope("agg_drain"):
            pltpu.make_async_copy(rows_a, acc_sh.at[dstv.at[HCPT - 2]], sem_sa).wait()
            pltpu.make_async_copy(rows_b, acc_sh.at[dstv.at[HCPT - 1]], sem_sb).wait()

    _load_idx(0)
    _gather(0, rows_a, sem_ga)

    with jax.named_scope("agg_zero"):
        @pl.loop(0, CHUNK)
        def _(i):
            @pl.loop(0, D // 16)
            def _(j):
                rows_b[i, pl.ds(j * 16, 16)] = jnp.zeros((16,), jnp.float32)

        @pl.loop(0, RPT // CHUNK)
        def _(k):
            pltpu.sync_copy(rows_b, acc_sh.at[pl.ds(s * RPT + k * CHUNK, CHUNK)])

        plsc.subcore_barrier()

    _edge_loop()
    _load_idx(1)
    _gather(0, rows_a, sem_ga)
    _edge_loop()

    plsc.subcore_barrier()

    with jax.named_scope("agg_writeback"):
        @pl.loop(0, RPT // CHUNK)
        def _(k):
            row = s * RPT + k * CHUNK
            pltpu.async_copy(acc_sh.at[pl.ds(row, CHUNK)],
                             out_hbm.at[c, pl.ds(row, CHUNK)], sem_ga)

        @pl.loop(0, RPT // CHUNK)
        def _(k):
            row = s * RPT + k * CHUNK
            pltpu.make_async_copy(acc_sh.at[pl.ds(row, CHUNK)],
                                  out_hbm.at[c, pl.ds(row, CHUNK)], sem_ga).wait()


@jax.jit
def _agg(hwp, srcp, dstp):
    k = pl.kernel(
        _agg_body,
        out_type=jax.ShapeDtypeStruct((NC, NP, D), jnp.float32),
        mesh=_mesh,
        scratch_types=[
            pltpu.VMEM((HCPT, CHUNK), jnp.int32),
            pltpu.VMEM((HCPT, CHUNK), jnp.int32),
            pltpu.VMEM((CHUNK, D), jnp.float32),
            pltpu.VMEM((CHUNK, D), jnp.float32),
            pltpu.VMEM_SHARED((NP, D), jnp.float32),
            pltpu.SemaphoreType.DMA,
            pltpu.SemaphoreType.DMA,
            pltpu.SemaphoreType.DMA,
            pltpu.SemaphoreType.DMA,
        ],
    )
    return k(hwp, srcp, dstp)


def _first_body(x_ref, w_ref, dinv_ref, o_ref):
    hw = jnp.dot(x_ref[...], w_ref[...], preferred_element_type=jnp.float32)
    o_ref[...] = hw * dinv_ref[...]


def _mid_body(p0_ref, p1_ref, hwp_ref, dinv_ref, b_ref, w_ref, o_ref):
    dinv = dinv_ref[...]
    h = jnp.maximum(dinv * (p0_ref[0] + p1_ref[0] + hwp_ref[...]) + b_ref[...], 0.0)
    o_ref[...] = jnp.dot(h, w_ref[...], preferred_element_type=jnp.float32) * dinv


def _head_body(p0_ref, p1_ref, hwp_ref, dinv_ref, b_ref, w1_ref, b1_ref,
               w2_ref, b2_ref, o_ref):
    dinv = dinv_ref[...]
    h = jnp.maximum(dinv * (p0_ref[0] + p1_ref[0] + hwp_ref[...]) + b_ref[...], 0.0)
    z = jnp.maximum(jnp.dot(h, w1_ref[...], preferred_element_type=jnp.float32)
                    + b1_ref[...], 0.0)
    o = jnp.dot(z, w2_ref[...], preferred_element_type=jnp.float32) + b2_ref[...]
    m = jnp.max(o, axis=1, keepdims=True)
    ex = jnp.exp(o - m)
    o_ref[...] = (o - m) - jnp.log(jnp.sum(ex, axis=1, keepdims=True))


def _row_spec(width):
    return pl.BlockSpec((RB, width), lambda i: (i, 0))


def _full_spec(r, cdim):
    return pl.BlockSpec((r, cdim), lambda i: (0, 0))


def _p_spec(core):
    return pl.BlockSpec((1, RB, D), lambda i, core=core: (core, i, 0))


@jax.jit
def _first(x, W, dinv):
    return pl.pallas_call(
        _first_body,
        grid=(N // RB,),
        in_specs=[_row_spec(D), _full_spec(D, D), _row_spec(1)],
        out_specs=_row_spec(D),
        out_shape=jax.ShapeDtypeStruct((N, D), jnp.float32),
    )(x, W, dinv)


@jax.jit
def _mid(p, hwp, dinv, b, W):
    return pl.pallas_call(
        _mid_body,
        grid=(N // RB,),
        in_specs=[_p_spec(0), _p_spec(1), _row_spec(D), _row_spec(1),
                  _full_spec(1, D), _full_spec(D, D)],
        out_specs=_row_spec(D),
        out_shape=jax.ShapeDtypeStruct((N, D), jnp.float32),
    )(p, p, hwp, dinv, b, W)


@jax.jit
def _head(p, hwp, dinv, b, w1, b1, w2, b2):
    return pl.pallas_call(
        _head_body,
        grid=(N // RB,),
        in_specs=[_p_spec(0), _p_spec(1), _row_spec(D), _row_spec(1),
                  _full_spec(1, D), _full_spec(D, D),
                  _full_spec(1, D), _full_spec(D, OUT), _full_spec(1, OUT)],
        out_specs=_row_spec(OUT),
        out_shape=jax.ShapeDtypeStruct((N, OUT), jnp.float32),
    )(p, p, hwp, dinv, b, w1, b1, w2, b2)


def kernel(x, edge_index, W0, b0, W1, b1, W2, b2, lin1_W, lin1_b, lin2_W, lin2_b):
    src = edge_index[0]
    dst = edge_index[1]
    npad = EP - E
    pad_src = jnp.arange(npad, dtype=jnp.int32) % N
    pad_dst = N + jnp.arange(npad, dtype=jnp.int32) % (NP - N)
    srcp = jnp.concatenate([src, pad_src]).reshape(NW, CPT, CHUNK)
    dstp = jnp.concatenate([dst, pad_dst]).reshape(NW, CPT, CHUNK)

    dinv = _prep(_hist(dstp))

    hwp = _first(x, W0, dinv)
    for b, W in ((b0, W1), (b1, W2)):
        p = _agg(hwp, srcp, dstp)
        hwp = _mid(p, hwp, dinv, b.reshape(1, D), W)
    p = _agg(hwp, srcp, dstp)
    return _head(p, hwp, dinv, b2.reshape(1, D),
                 lin1_W, lin1_b.reshape(1, D), lin2_W, lin2_b.reshape(1, OUT))

# --- scband reference (transcript-rebuilt; emitter-appended) ---
"""Pipeline reference for scband-gnnnode-classifier-47605417509072 (READ-ONLY COPY).

The authoritative reference and input builder live on the scoring server;
editing this copy changes nothing except your own understanding.
"""

import jax, jax.numpy as jnp
import numpy as np

N = 10000
E = 320000
D_IN = 128
HID = 128
OUT = 40
DEPTH = 3


def setup_inputs(seed: int = 0) -> dict:
    key = jax.random.key(seed)
    ks = jax.random.split(key, 16)
    inp = {}
    inp["x"] = jax.random.normal(ks[0], (N, D_IN), dtype=jnp.float32)
    inp["edge_index"] = jax.random.randint(ks[1], (2, E), 0, N, dtype=jnp.int32)
    # GCN layer weights (PyG GCNConv: linear then normalized aggregation + bias)
    inp["W0"] = jax.random.normal(ks[2], (D_IN, HID), dtype=jnp.float32) * (1.0 / np.sqrt(D_IN))
    inp["b0"] = jnp.zeros((HID,), dtype=jnp.float32)
    inp["W1"] = jax.random.normal(ks[3], (HID, HID), dtype=jnp.float32) * (1.0 / np.sqrt(HID))
    inp["b1"] = jnp.zeros((HID,), dtype=jnp.float32)
    inp["W2"] = jax.random.normal(ks[4], (HID, HID), dtype=jnp.float32) * (1.0 / np.sqrt(HID))
    inp["b2"] = jnp.zeros((HID,), dtype=jnp.float32)
    # Head: Linear(HID,HID) -> ReLU -> Linear(HID,OUT) -> LogSoftmax
    inp["lin1_W"] = jax.random.normal(ks[5], (HID, HID), dtype=jnp.float32) * (1.0 / np.sqrt(HID))
    inp["lin1_b"] = jnp.zeros((HID,), dtype=jnp.float32)
    inp["lin2_W"] = jax.random.normal(ks[6], (HID, OUT), dtype=jnp.float32) * (1.0 / np.sqrt(HID))
    inp["lin2_b"] = jnp.zeros((OUT,), dtype=jnp.float32)
    return inp


def reference(x, edge_index, W0, b0, W1, b1, W2, b2, lin1_W, lin1_b, lin2_W, lin2_b):
    # GCNConv with self-loops and symmetric normalization (PyG default)
    loop = jnp.arange(N, dtype=edge_index.dtype)
    src = jnp.concatenate([edge_index[0], loop])
    dst = jnp.concatenate([edge_index[1], loop])
    deg = jax.ops.segment_sum(jnp.ones(src.shape[0], dtype=x.dtype), dst, num_segments=N)
    dinv = jnp.where(deg > 0, deg ** -0.5, 0.0)
    norm = dinv[src] * dinv[dst]

    h = x
    for W, b in ((W0, b0), (W1, b1), (W2, b2)):
        hw = h @ W
        msg = hw[src] * norm[:, None]
        h = jax.ops.segment_sum(msg, dst, num_segments=N) + b
        h = jax.nn.relu(h)  # GNNEncoder activation between layers

    h = h @ lin1_W + lin1_b
    h = jax.nn.relu(h)
    h = h @ lin2_W + lin2_b
    return jax.nn.log_softmax(h, axis=1)

if __name__ == "__main__":
    import jax
    _d = setup_inputs()
    print(jax.jit(kernel)(*tuple(_d.values())))

</pallas_src>

<mosaic_0001>
#map = affine_map<(d0, d1) -> (0, 0, 0)>
#map1 = affine_map<(d0, d1) -> (0, 0)>
module attributes {stable_mosaic.version = 14 : i64} {
  func.func @_hist_body(%arg0: i32, %arg1: i32, %arg2: memref<32x80x128xi32, #tpu.memory_space<hbm>>, %arg3: memref<32x10240xf32, #tpu.memory_space<hbm>>, %arg4: memref<80x128xi32, #tpu.memory_space<vmem>>, %arg5: memref<10240xf32, #tpu.memory_space<vmem>>) attributes {dimension_semantics = [#tpu.dimension_semantics<core_parallel>, #tpu.dimension_semantics<subcore_parallel>], iteration_bounds = array<i64: 2, 16>, scalar_prefetch = 0 : i64, scratch_operands = 2 : i64, tpu.core_type = #tpu.core_type<sc_vector_subcore>, window_params = [{transform_indices = #map}, {transform_indices = #map1}]} {
    %mul3A = arith.constant 16 : i32
    %mul3A_0 = arith.muli %arg0, %mul3A : i32
    %add3A = arith.addi %mul3A_0, %arg1 : i32
    %scan3A = arith.constant 0 : i32
    %scan3A_1 = arith.constant 640 : i32
    %scan3A_2 = arith.addi %scan3A, %scan3A_1 : i32
    %scan3A_3 = arith.constant 1 : i32
    scf.for %scan3A_11 = %scan3A to %scan3A_2 step %scan3A_3  : i32 {
      %mul3A_12 = arith.constant 1 : i32
      %mul3A_13 = arith.muli %scan3A_11, %mul3A_12 : i32
      %add3A_14 = arith.constant 0 : i32
      %add3A_15 = arith.addi %add3A_14, %mul3A_13 : i32
      %broadcast_in_dim3A_16 = arith.constant 0.000000e+00 : f32
      %broadcast_in_dim3A_17 = vector.broadcast %broadcast_in_dim3A_16 : f32 to vector<16xf32>
      %mul3A_18 = arith.constant 16 : i32
      %mul3A_19 = arith.muli %add3A_15, %mul3A_18 : i32
      %swap3A = arith.index_cast %mul3A_19 : i32 to index
      %swap3A_20 = tpu.vector_load %arg5[%swap3A] {strides = array<i32>} : memref<10240xf32, #tpu.memory_space<vmem>>, vector<16xf32>,
      tpu.vector_store %arg5[%swap3A], %broadcast_in_dim3A_17 {strides = array<i32>} : memref<10240xf32, #tpu.memory_space<vmem>>, vector<16xf32>,
    }
    %scan3A_4 = arith.constant 640 : i32
    "tpu.region"() ({
      %run_scoped3A = tpu.sem_alloc : memref<!tpu.dma_semaphore, #tpu.memory_space<semaphore_mem>>
      %dma_start3A = arith.constant 0 : i32
      %dma_start3A_11 = arith.constant 0 : i32
      %dma_start3A_12 = tpu.memref_slice %arg2[%add3A, %dma_start3A, %dma_start3A_11] : memref<32x80x128xi32, #tpu.memory_space<hbm>> -> memref<1x80x128xi32, #tpu.memory_space<hbm>>
      %dma_start3A_13 = tpu.memref_squeeze %dma_start3A_12 : memref<1x80x128xi32, #tpu.memory_space<hbm>> -> memref<80x128xi32, #tpu.memory_space<hbm>>
      %dma_start3A_14 = arith.constant 0 : i32
      %dma_start3A_15 = arith.constant 0 : i32
      %dma_start3A_16 = tpu.memref_slice %arg2[%add3A, %dma_start3A_14, %dma_start3A_15] : memref<32x80x128xi32, #tpu.memory_space<hbm>> -> memref<1x80x128xi32, #tpu.memory_space<hbm>>
      %dma_start3A_17 = tpu.memref_squeeze %dma_start3A_16 : memref<1x80x128xi32, #tpu.memory_space<hbm>> -> memref<80x128xi32, #tpu.memory_space<hbm>>
      tpu.enqueue_dma source(%dma_start3A_17 : memref<80x128xi32, #tpu.memory_space<hbm>>) target(%arg4 : memref<80x128xi32, #tpu.memory_space<vmem>>) target_semaphore(%run_scoped3A : memref<!tpu.dma_semaphore, #tpu.memory_space<semaphore_mem>>)
      %dma_wait3A = arith.constant 0 : i32
      %dma_wait3A_18 = arith.constant 0 : i32
      %dma_wait3A_19 = tpu.memref_slice %arg2[%add3A, %dma_wait3A, %dma_wait3A_18] : memref<32x80x128xi32, #tpu.memory_space<hbm>> -> memref<1x80x128xi32, #tpu.memory_space<hbm>>
      %dma_wait3A_20 = tpu.memref_squeeze %dma_wait3A_19 : memref<1x80x128xi32, #tpu.memory_space<hbm>> -> memref<80x128xi32, #tpu.memory_space<hbm>>
      %dma_wait3A_21 = arith.constant 0 : i32
      %dma_wait3A_22 = arith.constant 0 : i32
      %dma_wait3A_23 = tpu.memref_slice %arg2[%add3A, %dma_wait3A_21, %dma_wait3A_22] : memref<32x80x128xi32, #tpu.memory_space<hbm>> -> memref<1x80x128xi32, #tpu.memory_space<hbm>>
      %dma_wait3A_24 = tpu.memref_squeeze %dma_wait3A_23 : memref<1x80x128xi32, #tpu.memory_space<hbm>> -> memref<80x128xi32, #tpu.memory_space<hbm>>
      tpu.wait_dma2 semaphore(%run_scoped3A : memref<!tpu.dma_semaphore, #tpu.memory_space<semaphore_mem>>) src(%dma_wait3A_24 : memref<80x128xi32, #tpu.memory_space<hbm>>) dst(%arg4 : memref<80x128xi32, #tpu.memory_space<vmem>>)
      tpu.yield
    }) : () -> ()
    %broadcast_in_dim3A = arith.constant 1.000000e+00 : f32
    %broadcast_in_dim3A_5 = vector.broadcast %broadcast_in_dim3A : f32 to vector<16xf32>
    %scan3A_6 = arith.constant 0 : i32
    %scan3A_7 = arith.constant 80 : i32
    %scan3A_8 = arith.addi %scan3A_6, %scan3A_7 : i32
    %scan3A_9 = arith.constant 1 : i32
    scf.for %scan3A_11 = %scan3A_6 to %scan3A_8 step %scan3A_9  : i32 {
      %mul3A_12 = arith.constant 1 : i32
      %mul3A_13 = arith.muli %scan3A_11, %mul3A_12 : i32
      %add3A_14 = arith.constant 0 : i32
      %add3A_15 = arith.addi %add3A_14, %mul3A_13 : i32
      %scan3A_16 = arith.constant 0 : i32
      %scan3A_17 = arith.constant 8 : i32
      %scan3A_18 = arith.addi %scan3A_16, %scan3A_17 : i32
      %scan3A_19 = arith.constant 1 : i32
      scf.for %scan3A_21 = %scan3A_16 to %scan3A_18 step %scan3A_19  : i32 {
        %mul3A_22 = arith.constant 1 : i32
        %mul3A_23 = arith.muli %scan3A_21, %mul3A_22 : i32
        %add3A_24 = arith.constant 0 : i32
        %add3A_25 = arith.addi %add3A_24, %mul3A_23 : i32
        %mul3A_26 = arith.constant 16 : i32
        %mul3A_27 = arith.muli %add3A_25, %mul3A_26 : i32
        %get3A = arith.index_cast %add3A_15 : i32 to index
        %get3A_28 = arith.index_cast %mul3A_27 : i32 to index
        %get3A_29 = tpu.vector_load %arg4[%get3A, %get3A_28] {strides = array<i32>} : memref<80x128xi32, #tpu.memory_space<vmem>>, vector<16xi32>,
        tpu.vector_store_idx %arg5[%get3A_29], %broadcast_in_dim3A_5 {add = true} : memref<10240xf32, #tpu.memory_space<vmem>>[vector<16xi32>], vector<16xf32>,
      }
      %scan3A_20 = arith.constant 8 : i32
    }
    %scan3A_10 = arith.constant 80 : i32
    "tpu.region"() ({
      %run_scoped3A = tpu.sem_alloc : memref<!tpu.dma_semaphore, #tpu.memory_space<semaphore_mem>>
      %dma_start3A = arith.constant 0 : i32
      %dma_start3A_11 = tpu.memref_slice %arg3[%add3A, %dma_start3A] : memref<32x10240xf32, #tpu.memory_space<hbm>> -> memref<1x10240xf32, #tpu.memory_space<hbm>>
      %dma_start3A_12 = tpu.memref_squeeze %dma_start3A_11 : memref<1x10240xf32, #tpu.memory_space<hbm>> -> memref<10240xf32, #tpu.memory_space<hbm>>
      %dma_start3A_13 = arith.constant 0 : i32
      %dma_start3A_14 = tpu.memref_slice %arg3[%add3A, %dma_start3A_13] : memref<32x10240xf32, #tpu.memory_space<hbm>> -> memref<1x10240xf32, #tpu.memory_space<hbm>>
      %dma_start3A_15 = tpu.memref_squeeze %dma_start3A_14 : memref<1x10240xf32, #tpu.memory_space<hbm>> -> memref<10240xf32, #tpu.memory_space<hbm>>
      tpu.enqueue_dma source(%arg5 : memref<10240xf32, #tpu.memory_space<vmem>>) target(%dma_start3A_15 : memref<10240xf32, #tpu.memory_space<hbm>>) target_semaphore(%run_scoped3A : memref<!tpu.dma_semaphore, #tpu.memory_space<semaphore_mem>>)
      %dma_wait3A = arith.constant 0 : i32
      %dma_wait3A_16 = tpu.memref_slice %arg3[%add3A, %dma_wait3A] : memref<32x10240xf32, #tpu.memory_space<hbm>> -> memref<1x10240xf32, #tpu.memory_space<hbm>>
      %dma_wait3A_17 = tpu.memref_squeeze %dma_wait3A_16 : memref<1x10240xf32, #tpu.memory_space<hbm>> -> memref<10240xf32, #tpu.memory_space<hbm>>
      %dma_wait3A_18 = arith.constant 0 : i32
      %dma_wait3A_19 = tpu.memref_slice %arg3[%add3A, %dma_wait3A_18] : memref<32x10240xf32, #tpu.memory_space<hbm>> -> memref<1x10240xf32, #tpu.memory_space<hbm>>
      %dma_wait3A_20 = tpu.memref_squeeze %dma_wait3A_19 : memref<1x10240xf32, #tpu.memory_space<hbm>> -> memref<10240xf32, #tpu.memory_space<hbm>>
      tpu.wait_dma2 semaphore(%run_scoped3A : memref<!tpu.dma_semaphore, #tpu.memory_space<semaphore_mem>>) src(%arg5 : memref<10240xf32, #tpu.memory_space<vmem>>) dst(%dma_wait3A_20 : memref<10240xf32, #tpu.memory_space<hbm>>)
      tpu.yield
    }) : () -> ()
    return
  }
}

</mosaic_0001>

<sc_bundles>
// kernel: _hist.3.cloned.1.call-start
scs
__scs_entry_jumppad:
0x0: {  	(pc) =	sbr.rel $0x88, $3  }
0x1: {  	(tag) =	ssettag $0x0;
	lr =	simm.s32 $0x1  }
0x2: {  	[smem:$0x3FA0] =	sst lr;
	_ =	strace $0xD0000000  }
0x3: {  	_ = 	snop  }
0x4: {  	_ = 	snop  }
0x5: {  	_ = 	snop  }
0x6: {  	_ = 	snop  }
0x7: {  	_ = 	snop  }
__scs_overlays_trampoline_lowered:
0x8: {  	[smem:$0x3FAF] =	sst s0  }
0x9: {  	[smem:$0x3FB0] =	sst s1  }
0xa: {  	[smem:$0x3FB1] =	sst s2  }
0xb: {  	[smem:$0x3FB2] =	sst s3  }
0xc: {  	[smem:$0x3FB3] =	sst s4  }
0xd: {  	[smem:$0x3FB4] =	sst s5  }
0xe: {  	[smem:$0x3FB5] =	sst s6  }
0xf: {  	[smem:$0x3FB6] =	sst s7  }
0x10: {  	[smem:$0x3FB7] =	sst s8  }
0x11: {  	[smem:$0x3FB8] =	sst s9;
	s0 =	simm.s32 @!p0 $0x0  }
0x12: {  	s1 =	sld [smem:$0x3F9E];
	s0 =	simm.s32 @p0 $0x1  }
0x13: {  	[smem:$0x3FB9] =	sst s0;
	s0 =	simm.s32 @!p1 $0x0  }
0x14: {  	s2 =	sld [smem:$0x3F9D];
	s0 =	simm.s32 @p1 $0x1  }
0x15: {  	[smem:$0x3FBA] =	sst s0;
	s0 =	simm.s32 @!p2 $0x0  }
0x16: {  	s3 =	sld [smem:$0x3FDB];
	s0 =	simm.s32 @p2 $0x1  }
0x17: {  	s4 =	simm.s32 $0x1BF5;
	[smem:$0x3FBC] =	sst s0  }
0x18: {  	s0 =	sld [smem:$0x3F9F];
	_ =	swait.ge [sflag:s4], $0x0  }
0x19: {  	s7 =	sld [smem:$0x3FA0]  }
0x1a: {  	s8 =	sadd.s32 $0xFFFFE003, lr  }
0x1b: {  	s9 =	sadd.s32 $0xFFFFFEF7, lr;
	s5 =	simm.s32 $0xFFFFFFFF;
	p2 =	slt.u32 s8, $0xFFFFF086  }
0x1c: {  	p1 =	slt.u32 s9, $0xF7A;
	s5 =	simm.s32 @!p2 $0x0  }
0x1d: {  	s5 =	simm.s32 @p1 $0x1;
	p0 =	seq.s32 s7, s2  }
0x1e: {  	s7 =	smul.u32 @!p0 $0xF7A, s2;
	p2 =	seq.s32 @!p0 s5, $0x0  }
0x1f: {  	s9 =	smul.u32 $0xF7A, s1;
	s8 =	simm.s32 @!p0 $0x1BF5;
	p2 =	por !p2, p0  }
0x20: {  	[sflag:s8] =	ssyncset.s32 @!p0 $0xFFFFF086;
	s6 =	sadd.s32 @!p0 s3, s7;
	s7 =	simm.s32 @!p0 $0x108  }
0x21: {  	s3 =	sadd.s32 s3, s9;
	s6 =	sadd.s32 @!p0 $0x88, s6;
	s7 =	simm.s32 @p2 $0x1082  }
0x22: {  	[simem:s7], [sflag:s8] =	dma.local @!p0 [hbm:s6], $0xF7A  }
0x23: {  	s9 =	sor.u32 $0xD0000000, s2;
	s6 =	simm.s32 $0x108;
	_ =	swait.ge @!p0 [sflag:s8], $0x0  }
0x24: {  	s3 =	sadd.s32 $0x88, s3;
	s6 =	simm.s32 @!p1 $0x1082;
	[sflag:s4] =	ssyncset.s32 $0xFFFFF086  }
0x25: {  	[simem:s6], [sflag:s4] =	dma.local [hbm:s3], $0xF7A  }
0x26: {  	[smem:$0x3FA0] =	sst s1;
	(tag) =	ssettag s2;
	_ =	strace s9  }
0x27: {  	s1 =	sld [smem:$0x3FB0]  }
0x28: {  	s2 =	sld [smem:$0x3FB1]  }
0x29: {  	s4 =	sld [smem:$0x3FB3]  }
0x2a: {  	p0 =	seq.s32 s5, $0x0;
	s5 =	sld [smem:$0x3FB4]  }
0x2b: {  	s6 =	sld [smem:$0x3FB5]  }
0x2c: {  	s7 =	sld [smem:$0x3FB6]  }
0x2d: {  	s3 =	simm.s32 $0x108;
	s8 =	sld [smem:$0x3FB7]  }
0x2e: {  	s3 =	simm.s32 @!p0 $0x1082;
	s9 =	sld [smem:$0x3FB8]  }
0x2f: {  	lr =	sadd.s32 s0, s3;
	s0 =	sld [smem:$0x3FAF]  }
0x30: {  	s3 =	sld [smem:$0x3FB2]  }
0x31: {  	[smem:$0x3FBB] =	sst s10  }
0x32: {  	s10 =	sld [smem:$0x3FB9];
	_ =	sdelay $0x3  }
0x33: {  	p0 =	seq.s32 s10, $0x1;
	s10 =	sld [smem:$0x3FBB];
	_ =	sdelay $0x3  }
0x34: {  	[smem:$0x3FBB] =	sst s10  }
0x35: {  	s10 =	sld [smem:$0x3FBA];
	_ =	sdelay $0x3  }
0x36: {  	p1 =	seq.s32 s10, $0x1;
	s10 =	sld [smem:$0x3FBB];
	_ =	sdelay $0x3  }
0x37: {  	[smem:$0x3FBB] =	sst s10  }
0x38: {  	s10 =	sld [smem:$0x3FBC]  }
0x39: {  	_ = 	snop;
	(pc) =	sbr.ind lr, $3  }
0x3a: {  	_ = 	snop  }
0x3b: {  	_ = 	snop  }
0x3c: {  	p2 =	seq.s32 s10, $0x1;
	s10 =	sld [smem:$0x3FBB]  }
0x3d: {  	_ =	shalt  }
0x3e: {  	_ =	shalt  }
0x3f: {  	_ =	shalt  }
0x40: {  	_ =	shalt  }
0x41: {  	_ =	shalt  }
0x42: {  	_ =	shalt  }
0x43: {  	_ =	shalt  }
0x44: {  	_ =	shalt  }
0x45: {  	_ =	shalt  }
0x46: {  	_ =	shalt  }
0x47: {  	_ =	shalt  }
0x48: {  	_ =	shalt  }
0x49: {  	_ =	shalt  }
0x4a: {  	_ =	shalt  }
0x4b: {  	_ =	shalt  }
0x4c: {  	_ =	shalt  }
0x4d: {  	_ =	shalt  }
0x4e: {  	_ =	shalt  }
0x4f: {  	_ =	shalt  }
0x50: {  	_ =	shalt  }
0x51: {  	_ =	shalt  }
0x52: {  	_ =	shalt  }
0x53: {  	_ =	shalt  }
0x54: {  	_ =	shalt  }
0x55: {  	_ =	shalt  }
0x56: {  	_ =	shalt  }
0x57: {  	_ =	shalt  }
0x58: {  	_ =	shalt  }
0x59: {  	_ =	shalt  }
0x5a: {  	_ =	shalt  }
0x5b: {  	_ =	shalt  }
0x5c: {  	_ =	shalt  }
0x5d: {  	_ =	shalt  }
0x5e: {  	_ =	shalt  }
0x5f: {  	_ =	shalt  }
0x60: {  	_ =	shalt  }
0x61: {  	_ =	shalt  }
0x62: {  	_ =	shalt  }
0x63: {  	_ =	shalt  }
0x64: {  	_ =	shalt  }
0x65: {  	_ =	shalt  }
0x66: {  	_ =	shalt  }
0x67: {  	_ =	shalt  }
0x68: {  	_ =	shalt  }
0x69: {  	_ =	shalt  }
0x6a: {  	_ =	shalt  }
0x6b: {  	_ =	shalt  }
0x6c: {  	_ =	shalt  }
0x6d: {  	_ =	shalt  }
0x6e: {  	_ =	shalt  }
0x6f: {  	_ =	shalt  }
0x70: {  	_ =	shalt  }
0x71: {  	_ =	shalt  }
0x72: {  	_ =	shalt  }
0x73: {  	_ =	shalt  }
0x74: {  	_ =	shalt  }
0x75: {  	_ =	shalt  }
0x76: {  	_ =	shalt  }
0x77: {  	_ =	shalt  }
0x78: {  	_ =	shalt  }
0x79: {  	_ =	shalt  }
0x7a: {  	_ =	shalt  }
0x7b: {  	_ =	shalt  }
0x7c: {  	_ =	shalt  }
0x7d: {  	_ =	shalt  }
0x7e: {  	_ =	shalt  }
0x7f: {  	_ =	shalt  }
0x80: {  	_ =	shalt  }
0x81: {  	_ =	shalt  }
0x82: {  	_ =	shalt  }
0x83: {  	_ =	shalt  }
0x84: {  	_ =	shalt  }
0x85: {  	_ =	shalt  }
0x86: {  	_ =	shalt  }
0x87: {  	_ =	shalt  }
.Lfunc_end0:
.L_simem_size_0:
called_computation_lowered:
.L_overlay_start_0:
0x88: {  	s2 =	sld [smem:$0x3FD9]  }
0x89: {  	s3 =	sld [smem:$0x3FFE];
	_ =	sdelay $0x1  }
0x8a: {  	s1 =	srdreg.scid  }
0x8b: {  	s0 =	sand.u32 $0x1, s1  }
0x8c: {  	s18 =	sshll.u32 s0, $0xA;
	s2 =	sadd.s32 s3, s2  }
0x8d: {  	s2 =	sadd.s32 s2, s18  }
0x8e: {  	[smem:$0x3FC7] =	sst s2  }
0x8f: {  	_ = 	snop  }
0x90: {  	s2 =	sld [smem:$0x3FC9]  }
0x91: {  	s19 =	sld [smem:$0x3FD0];
	(tm) =	ssettm $0x1  }
0x92: {  	s4 =	sld [smem:$0x3FFB];
	_ =	sdelay $0x3  }
0x93: {  	_ =	strace s4  }
0x94: {  	s4 =	sld [smem:$0x3FFC];
	_ =	sdelay $0x3  }
0x95: {  	_ =	strace s4  }
0x96: {  	s4 =	sld [smem:$0x3FFD];
	_ =	sdelay $0x3  }
0x97: {  	_ =	strace s4  }
0x98: {  	_ =	strace $0x8FFFFFFF  }
0x99: {  	s20 =	sld [smem:$0x3FDB];
	_ =	sdelay $0x1  }
0x9a: {  	s5 =	simm.s32 $_scs_section_size  }
0x9b: {  	s6 =	simm.s32 $_size__tile_overlayer_lowered;
	s7 =	simm.s32 $_tile_overlayer_lowered  }
0x9c: {  	s23 =	simm.s32 $0x1BFF;
	s22 =	sshll.u32 s7, $0x1;
	s4 =	sadd.s32 s5, s20  }
0x9d: {  	s8 =	simm.s32 $0x0;
	s21 =	sshll.u32 s6, $0x1;
	s6 =	sadd.s32 s22, s4  }
0x9e: {  	[timem:s8], [sflag:s23] =	dma.local [hbm:s6], s21  }
0x9f: {  	_ =	swait.ge [sflag:s23], s21  }
0xa0: {  	s5 =	ssub.s32 $0x0, s21;
	[sflag:s23] =	ssyncset.done $0x0  }
0xa1: {  	[sflag:s23] =	ssyncadd.s32 s5;
	_ =	sdelay $0x1  }
0xa2: {  	s24 =	simm.s32 $0x1B8B  }
0xa3: {  	_ =	swait.ge [sflag:s24], $0x1  }
0xa4: {  	[sflag:s24] =	ssyncset.done $0x0  }
0xa5: {  	s25 =	simm.s32 $0x1B8E;
	[sflag:s24] =	ssyncadd.s32 $0xFFFFFFFF  }
0xa6: {  	s26 =	simm.s32 $execute0_lowered;
	[smem:$0x3FD2] =	sst s25  }
0xa7: {  	s5 =	sshll.u32 s26, $0x1;
	_ =	strace $0x80000046;
	[dreg:$0x1] =	wrdreg $0xFFFFFFFF  }
0xa8: {  	s28 =	simm.s32 $_size_execute0_lowered;
	s4 =	sadd.s32 s4, s5;
	[dreg:$0x0] =	wrdreg $0x0  }
0xa9: {  	s5 =	sshll.u32 s28, $0x1;
	[dreg:$0x2] =	wrdreg s4  }
0xaa: {  	[dreg:$0x3] =	wrdreg s5  }
0xab: {  	[dreg:$0x4] =	wrdreg $0xC0  }
0xac: {  	_ =	task [dreg:s8], $0x5FFFF  }
0xad: {  	[dreg:$0x1] =	wrdreg $0xFFFFFFFF  }
0xae: {  	[dreg:$0x0] =	wrdreg $0x60  }
0xaf: {  	[dreg:$0x2] =	wrdreg s2  }
0xb0: {  	[dreg:$0x3] =	wrdreg s19  }
0xb1: {  	[dreg:$0x4] =	wrdreg $0x9  }
0xb2: {  	_ =	task.clear_ibuf [dreg:s8], $0x5FFFF;
	_ =	strace $0x90000046  }
0xb3: {  	s29 =	simm.s32 $0x9;
	_ =	strace $0x80000048  }
0xb4: {  	_ =	swait.ge [sflag:s29], $0x1  }
0xb5: {  	[sflag:s29] =	ssyncadd.s32 $0xFFFFFFFF  }
0xb6: {  	_ =	strace $0x90000048  }
0xb7: {  	_ =	sfence  }
0xb8: {  	s30 =	sld [smem:$0x0];
	_ =	sdelay $0x2  }
0xb9: {  	s31 =	sshll.u32 s1, $0xD;
	s1 =	sshrl.u32 s1, $0x2  }
0xba: {  	s3 =	sand.u32 $0x4000, s31;
	s1 =	sadd.s32 s1, s30  }
0xbb: {  	s0 =	sor.u32 s3, s0;
	s1 =	sshll.u32 s1, $0x11  }
0xbc: {  	s0 =	sor.u32 s1, s0  }
0xbd: {  	s0 =	sadd.s32 $0x8F2B, s0  }
0xbe: {  	[sflag:s0] =	ssyncadd.remote.s32 $0x1  }
0xbf: {  	_ =	sfence.sel $0xFFFF  }
0xc0: {  	[dreg:$0x0] =	wrdreg $0xFFFFFFFF;
	(pc) =	sbr.abs _section_cstart, $3  }
0xc1: {  	[dreg:$0x1] =	wrdreg $0xFFFFFFFF  }
0xc2: {  	_ =	task.clear_ibuf [dreg:s8], $0x2FFFF;
	_ =	strace $0x9FFFFFFF  }
0xc3: {  	(tm) =	ssettm $0x7FFFFFFF  }
tec
execute0_lowered:
.L_overlay_start_1:
0x0: {  	(tag) =	ssettag $0x1  }
0x1: {  	s0 =	srdreg.scid  }
0x2: {  	s3 =	sand.u32 $0x1, s0  }
0x3: {  	s4 =	rddreg [dreg:$0x0];
	s0 =	stileid.u32;
	s1 =	sshll.u32 s3, $0x4  }
0x4: {  	s5 =	rddreg [dreg:$0x1];
	s2 =	simm.s32 $0x0;
	s6 =	sor.u32 s0, s1  }
0x5: {  	s9 =	simm.s32 $0x400;
	s10 =	simm.s32 $0x0;
	s7 =	sshrl.u32 s6, $0x3  }
0x6: {  	[smem:$0x7FF] =	sst s2;
	s8 =	sshll.u32 s0, $0x7;
	s7 =	smul.u32 $0x14000, s7  }
0x7: {  	s3 =	ssub.s32 $0x2, s3;
	s1 =	rddreg [dreg:$0x2];
	s8 =	sand.u32 $0x380, s8  }
0x8: {  	s31 =	sshrl.u32 s3, $0x1;
	s6 =	smul.u32 $0x500, s6;
	s7 =	sor.u32 s8, s7  }
0x9: {  	_ =	strace $0x80000047;
	s8 =	ssub.s32 s3, s31;
	s7 =	sshrl.u32 s7, $0x3  }
0xa: {  	s3 =	sadd.s32 s4, s6;
	s6 =	simm.s32 $0x1;
	s4 =	sadd.s32 s5, s7  }
0xb: {  	v0 =	vimm.f32 $0.0e+00;
	v1 =	vimm.f32 $1.000000000e+00;
	s5 =	smax.u32 s8, $0x1;
	s7 =	simm.s32 $0x2800;
	s8 =	simm.s32 $0x80  }
.LBB2_1:
0xc: {  	s11 =	simm.s32 $0x40;
	s12 =	simm.s32 $0x0  }
.LBB2_2:
0xd: {  	p0 =	sne.s32 s11, $0x9FC0;
	[tilespmem:s12+$0x2800] =	vst v0;
	s12 =	smov.u32 s11;
	s11 =	sadd.s32 $0x40, s11  }
.Ltmp0:
0xe: {  	(pc) =	sbr.rel @p0 .LBB2_2-.Ltmp0, $2  }
0xf: {  	_ =	sdelay $0x2  }
0x10: {  	s12 =	sshra.s32 s12, $0x2  }
0x11: {  	[tilespmem:s12+$0x2800] =	vst v0  }
0x12: {  	[tilespmem:s2], [sflag:$0x1] =	stream.linear.gather [hbm4b:s3+s2], $0x2800, $0x38;
	[tilespmem:$0x5000] =	vst v63  }
0x13: {  	_ =	swait.ge [sflag:s6], $0x2800  }
0x14: {  	[sflag:s6] =	ssyncset.done $0x0  }
0x15: {  	s11 =	simm.s32 $0x1C0;
	[sflag:s6] =	ssyncadd.s32 $0xFFFFD800  }
.LBB2_4:
0x16: {  	s12 =	sshra.s32 s11, $0x2  }
0x17: {  	v2 =	vld [tilespmem:s12+$0xFFFFFF90];
	_ =	sdelay $0x7  }
0x18: {  	[tilespmem:v2+s7+$0x0] =	vst.idx.add.f32.msk $0xffff, v1  }
0x19: {  	v2 =	vld [tilespmem:s12+$0xFFFFFFA0];
	_ =	sdelay $0x7  }
0x1a: {  	[tilespmem:v2+s7+$0x0] =	vst.idx.add.f32.msk $0xffff, v1  }
0x1b: {  	v2 =	vld [tilespmem:s12+$0xFFFFFFB0];
	_ =	sdelay $0x7  }
0x1c: {  	[tilespmem:v2+s7+$0x0] =	vst.idx.add.f32.msk $0xffff, v1  }
0x1d: {  	v2 =	vld [tilespmem:s12+$0xFFFFFFC0];
	_ =	sdelay $0x7  }
0x1e: {  	[tilespmem:v2+s7+$0x0] =	vst.idx.add.f32.msk $0xffff, v1  }
0x1f: {  	v2 =	vld [tilespmem:s12+$0xFFFFFFD0];
	_ =	sdelay $0x7  }
0x20: {  	[tilespmem:v2+s7+$0x0] =	vst.idx.add.f32.msk $0xffff, v1  }
0x21: {  	v2 =	vld [tilespmem:s12+$0xFFFFFFE0];
	_ =	sdelay $0x7  }
0x22: {  	[tilespmem:v2+s7+$0x0] =	vst.idx.add.f32.msk $0xffff, v1  }
0x23: {  	v2 =	vld [tilespmem:s12+$0xFFFFFFF0];
	_ =	sdelay $0x7  }
0x24: {  	[tilespmem:v2+s7+$0x0] =	vst.idx.add.f32.msk $0xffff, v1  }
0x25: {  	v2 =	vld [tilespmem:s12+$0x0];
	_ =	sdelay $0x2  }
0x26: {  	p0 =	sne.s32 s11, $0x9FC0  }
.Ltmp1:
0x27: {  	_ = 	snop;
	(pc) =	sbr.rel @p0 .LBB2_4-.Ltmp1, $2  }
0x28: {  	_ =	sdelay $0x2  }
0x29: {  	s11 =	sadd.s32 $0x200, s11;
	[tilespmem:v2+s7+$0x0] =	vst.idx.add.f32.msk $0xffff, v1  }
0x2a: {  	s10 =	sadd.s32 $0x1, s10  }
0x2b: {  	p0 =	sne.s32 s10, s5  }
.Ltmp2:
0x2c: {  	_ = 	snop;
	(pc) =	sbr.rel @p0 .LBB2_1-.Ltmp2, $4  }
0x2d: {  	[hbm4b:s4+s8] =	stream.strided.scatter [tilespmem:s7], [sflag:$0x1], $0x2800, s9, s8, $0x38;
	[tilespmem:$0x5000] =	vst v63  }
0x2e: {  	_ =	swait.ge [sflag:s6], $0x2800  }
0x2f: {  	[sflag:s6] =	ssyncset.done $0x0  }
0x30: {  	[sflag:s6] =	ssyncadd.s32 $0xFFFFD800  }
0x31: {  	_ =	sfence.sel $0x180000  }
0x32: {  	[bflag:$0x0] =	sbarrier.arrive $0xFFFF  }
0x33: {  	p0 =	sne.s32 s0, $0x0;
	_ =	strace $0x90000047  }
0x34: {  	s0 =	sadd.s32 @!p0 $0x100000, s1;
	[bflag:$0x2] =	sbarrier.arrive $0xFFFF  }
0x35: {  	[sflag:s0] =	ssyncadd.tile.s32 @!p0 $0x1;
	_ =	shalt  }
.Lfunc_end2:
_tile_overlayer_lowered:
.L_overlay_start_2:
0x36: {  	(tag) =	ssettag $0x2  }
0x37: {  	s0 =	rddreg [dreg:$0x0];
	s2 =	stileid.u32  }
0x38: {  	s1 =	rddreg [dreg:$0x1];
	p0 =	sne.s32 s2, $0x0  }
0x39: {  	s3 =	rddreg [dreg:$0x2];
	[bflag:$0x3] =	sbarrier.arrive $0xFFFF;
	s2 =	simm.s32 @!p0 $0x1C01  }
0x3a: {  	[timem:s3], [sflag:s2] =	dma.local @!p0 [hbm:s0], s1  }
0x3b: {  	s0 =	simm.s32 @!p0 $0x1  }
0x3c: {  	_ =	swait.ge @!p0 [sflag:s0], s1  }
0x3d: {  	s1 =	ssub.s32 @!p0 $0x0, s1;
	[sflag:s0] =	ssyncset.done @!p0 $0x0  }
0x3e: {  	[sflag:s0] =	ssyncadd.s32 @!p0 s1  }
0x3f: {  	[bflag:$0x3] =	sbarrier.arrive $0xFFFF  }
0x40: {  	_ =	shalt  }

</sc_bundles>
